<compile_context>
chip_gen: v7x
topology: tpu7x:2x2x1
jax: 0.10.2.dev20260603
libtpu: 0.0.44.dev20260713+nightly
codegen_flags: <defaults>
</compile_context>

<pallas_src>
import jax
import jax.numpy as jnp
from jax import lax
from jax.experimental import pallas as pl
from jax.experimental.pallas import tpu as pltpu
from jax.experimental.pallas import tpu_sc as plsc

N = 10000
E = 320000
D = 128
H = 64
O = 64
K = 10
ALPHA = 0.1

NC = 2
NS = 16
HALF = O // NC
CHUNK = 128
NCH_T = 160
G = 5
NG = NCH_T // G
E_PAD = NS * NCH_T * CHUNK
ECH = E_PAD // CHUNK
N_PAD = 10240
RPT = N_PAD // NS
DEG_W = 16
DEG_SUP = 8
_SC_PARAMS = pltpu.CompilerParams(use_tc_tiling_on_sc=False)


def _sc_loop_body(t2_hbm, sb_hbm, src_hbm, dst_hbm, out_hbm,
                  idx_s, idx_d, rows, tv, ar, agg, sh_t,
                  sem_i0, sem_i1, sem_g0, sem_g1, sem_s0, sem_s1):
    sems_i = (sem_i0, sem_i1)
    sems_g = (sem_g0, sem_g1)
    sems_s = (sem_s0, sem_s1)
    cid = lax.axis_index("c")
    sid = lax.axis_index("s")
    stripe = pl.ds(sid * RPT, RPT)
    base_row = sid * NCH_T

    def zero_agg_stripe():
        @pl.loop(0, RPT, step=4)
        def _(r):
            for rr in range(4):
                for cp in (0, 16):
                    rows[0, r + rr, pl.ds(cp, 16)] = jnp.zeros((16,),
                                                               jnp.float32)
        pltpu.sync_copy(rows.at[0], agg.at[stripe])

    pltpu.sync_copy(t2_hbm.at[cid].at[stripe], tv)
    pltpu.sync_copy(tv, sh_t.at[stripe])

    @pl.loop(0, RPT)
    def _(r):
        for cp in (0, 16):
            cs = pl.ds(cp, 16)
            ar[r, cs] = ALPHA * tv[r, cs]

    zero_agg_stripe()
    plsc.subcore_barrier()

    def issue_idx(gg, q, s):
        pltpu.async_copy(src_hbm.at[pl.ds(base_row + gg * G, G)],
                         idx_s.at[pl.ds(q * G, G)], sems_i[s])
        pltpu.async_copy(dst_hbm.at[pl.ds(base_row + gg * G, G)],
                         idx_d.at[pl.ds(q * G, G)], sems_i[s])

    def drain_idx(gg, q, s):
        pltpu.make_async_copy(src_hbm.at[pl.ds(base_row + gg * G, G)],
                              idx_s.at[pl.ds(q * G, G)], sems_i[s]).wait()
        pltpu.make_async_copy(dst_hbm.at[pl.ds(base_row + gg * G, G)],
                              idx_d.at[pl.ds(q * G, G)], sems_i[s]).wait()

    def drain_scatters(s, q):
        for i in range(G):
            pltpu.make_async_copy(rows.at[s, pl.ds(i * CHUNK, CHUNK)],
                                  agg.at[idx_d.at[q * G + i]], sems_s[s]).wait()

    issue_idx(0, 0, 0)
    issue_idx(1, 1, 1)

    @pl.loop(0, K)
    def _(k):
        @pl.loop(0, NG, step=4)
        def _(g):
            for kk in range(4):
                q = kk
                s = kk % 2
                gg = g + kk
                @pl.when(gg >= 2)
                def _():
                    drain_scatters(s, q)
                drain_idx(gg, q, s)
                for i in range(G):
                    pltpu.async_copy(sh_t.at[idx_s.at[q * G + i]],
                                     rows.at[s, pl.ds(i * CHUNK, CHUNK)],
                                     sems_g[s])
                @pl.when(gg + 2 < NG)
                def _():
                    issue_idx(gg + 2, (q + 2) % 4, s)
                for i in range(G):
                    pltpu.make_async_copy(sh_t.at[idx_s.at[q * G + i]],
                                          rows.at[s, pl.ds(i * CHUNK, CHUNK)],
                                          sems_g[s]).wait()
                    pltpu.async_copy(rows.at[s, pl.ds(i * CHUNK, CHUNK)],
                                     agg.at[idx_d.at[q * G + i]], sems_s[s],
                                     add=True)

        drain_scatters(0, 2)
        drain_scatters(1, 3)
        plsc.subcore_barrier()

        @pl.when(k < K - 1)
        def _():
            issue_idx(0, 0, 0)
            issue_idx(1, 1, 1)
        pltpu.async_copy(agg.at[stripe], rows.at[0], sem_g0)
        pltpu.async_copy(sb_hbm.at[stripe], rows.at[1], sem_g1)
        pltpu.make_async_copy(agg.at[stripe], rows.at[0], sem_g0).wait()
        pltpu.make_async_copy(sb_hbm.at[stripe], rows.at[1], sem_g1).wait()

        @pl.loop(0, RPT, step=4)
        def _(r):
            for rr in range(4):
                for cp in (0, 16):
                    cs = pl.ds(cp, 16)
                    tv[r + rr, cs] = (ar[r + rr, cs]
                                      + rows[1, r + rr, cs]
                                      * (rows[0, r + rr, cs] + tv[r + rr, cs]))

        pltpu.sync_copy(tv, sh_t.at[stripe])
        zero_agg_stripe()
        plsc.subcore_barrier()

    pltpu.sync_copy(tv, out_hbm.at[cid].at[stripe])


@jax.jit
def _sc_k_loop(t2, sb, src2d, dst2d):
    mesh = plsc.VectorSubcoreMesh(core_axis_name="c", subcore_axis_name="s")
    kern = pl.kernel(
        _sc_loop_body,
        out_type=jax.ShapeDtypeStruct((NC, N_PAD, HALF), jnp.float32),
        mesh=mesh,
        compiler_params=_SC_PARAMS,
        scratch_types=[
            pltpu.VMEM((4 * G, CHUNK), jnp.int32),
            pltpu.VMEM((4 * G, CHUNK), jnp.int32),
            pltpu.VMEM((2, G * CHUNK, HALF), jnp.float32),
            pltpu.VMEM((RPT, HALF), jnp.float32),
            pltpu.VMEM((RPT, HALF), jnp.float32),
            pltpu.VMEM_SHARED((N_PAD, HALF), jnp.float32),
            pltpu.VMEM_SHARED((N_PAD, HALF), jnp.float32),
            pltpu.SemaphoreType.DMA,
            pltpu.SemaphoreType.DMA,
            pltpu.SemaphoreType.DMA,
            pltpu.SemaphoreType.DMA,
            pltpu.SemaphoreType.DMA,
            pltpu.SemaphoreType.DMA,
        ],
    )
    return kern(t2, sb, src2d, dst2d)


DEG_NCH = ECH // (NC * NS)


def _sc_deg_body(dst_hbm, ones_hbm, zeros_hbm, out_hbm,
                 idx_d, ones_v, agg, sem):
    cid = lax.axis_index("c")
    sid = lax.axis_index("s")
    wid = cid * NS + sid
    base_row = wid * DEG_NCH
    stripe = N_PAD // NS

    pltpu.sync_copy(ones_hbm, ones_v)
    pltpu.sync_copy(zeros_hbm.at[pl.ds(sid * stripe, stripe)],
                    agg.at[pl.ds(sid * stripe, stripe)])
    plsc.subcore_barrier()

    @pl.loop(0, DEG_NCH // DEG_SUP)
    def _(k):
        pltpu.sync_copy(dst_hbm.at[pl.ds(base_row + k * DEG_SUP, DEG_SUP)],
                        idx_d)
        for i in range(DEG_SUP):
            pltpu.async_copy(ones_v, agg.at[idx_d.at[i]], sem, add=True)
        for i in range(DEG_SUP):
            pltpu.make_async_copy(ones_v, agg.at[idx_d.at[i]], sem).wait()

    plsc.subcore_barrier()
    pltpu.sync_copy(agg.at[pl.ds(sid * stripe, stripe)],
                    out_hbm.at[cid].at[pl.ds(sid * stripe, stripe)])


@jax.jit
def _sc_degrees(dst2d, ones16, zeros16):
    mesh = plsc.VectorSubcoreMesh(core_axis_name="c", subcore_axis_name="s")
    kern = pl.kernel(
        _sc_deg_body,
        out_type=jax.ShapeDtypeStruct((NC, N_PAD, DEG_W), jnp.float32),
        mesh=mesh,
        compiler_params=_SC_PARAMS,
        scratch_types=[
            pltpu.VMEM((DEG_SUP, CHUNK), jnp.int32),
            pltpu.VMEM((CHUNK, DEG_W), jnp.float32),
            pltpu.VMEM_SHARED((N_PAD, DEG_W), jnp.float32),
            pltpu.SemaphoreType.DMA,
        ],
    )
    return kern(dst2d, ones16, zeros16)


_BLK = 1024
_GRID = N_PAD // _BLK


def _mlp_body(x_ref, w1_ref, b1_ref, w2_ref, b2_ref, h_ref):
    z = jnp.dot(x_ref[...], w1_ref[...], preferred_element_type=jnp.float32)
    z = jnp.maximum(z + b1_ref[...], 0.0)
    h_ref[...] = (jnp.dot(z, w2_ref[...], preferred_element_type=jnp.float32)
                  + b2_ref[...])


@jax.jit
def _mlp(x_pad, W1, b1, W2, b2):
    return pl.pallas_call(
        _mlp_body,
        grid=(_GRID,),
        in_specs=[
            pl.BlockSpec((_BLK, D), lambda i: (i, 0)),
            pl.BlockSpec((D, H), lambda i: (0, 0)),
            pl.BlockSpec((1, H), lambda i: (0, 0)),
            pl.BlockSpec((H, O), lambda i: (0, 0)),
            pl.BlockSpec((1, O), lambda i: (0, 0)),
        ],
        out_specs=pl.BlockSpec((_BLK, O), lambda i: (i, 0)),
        out_shape=jax.ShapeDtypeStruct((N_PAD, O), jnp.float32),
    )(x_pad, W1, b1, W2, b2)


def _prep_body(h_ref, d_ref, t2_ref, sb_ref):
    d = d_ref[...]
    t = h_ref[...] * d
    t2_ref[...] = jnp.stack([t[:, :HALF], t[:, HALF:]])
    sb_ref[...] = jnp.broadcast_to((1.0 - ALPHA) * d * d, (_BLK, HALF))


@jax.jit
def _prep(h, dinv_col):
    return pl.pallas_call(
        _prep_body,
        grid=(_GRID,),
        in_specs=[
            pl.BlockSpec((_BLK, O), lambda i: (i, 0)),
            pl.BlockSpec((_BLK, 1), lambda i: (i, 0)),
        ],
        out_specs=[
            pl.BlockSpec((NC, _BLK, HALF), lambda i: (0, i, 0)),
            pl.BlockSpec((_BLK, HALF), lambda i: (i, 0)),
        ],
        out_shape=[
            jax.ShapeDtypeStruct((NC, N_PAD, HALF), jnp.float32),
            jax.ShapeDtypeStruct((N_PAD, HALF), jnp.float32),
        ],
    )(h, dinv_col)


_FBLK = 1000
_FGRID = N // _FBLK


def _final_body(tl_ref, tr_ref, r_ref, o_ref):
    y = jnp.concatenate([tl_ref[0], tr_ref[0]], axis=1) * r_ref[...]
    m = jnp.max(y, axis=1, keepdims=True)
    lse = jnp.log(jnp.sum(jnp.exp(y - m), axis=1, keepdims=True))
    o_ref[...] = y - m - lse


@jax.jit
def _final(tk2, rdinv_col):
    return pl.pallas_call(
        _final_body,
        grid=(_FGRID,),
        in_specs=[
            pl.BlockSpec((1, _FBLK, HALF), lambda i: (0, i, 0)),
            pl.BlockSpec((1, _FBLK, HALF), lambda i: (1, i, 0)),
            pl.BlockSpec((_FBLK, 1), lambda i: (i, 0)),
        ],
        out_specs=pl.BlockSpec((_FBLK, O), lambda i: (i, 0)),
        out_shape=jax.ShapeDtypeStruct((N, O), jnp.float32),
    )(tk2, tk2, rdinv_col)


def kernel(x, edge_index, W1, b1, W2, b2):
    src = edge_index[0].astype(jnp.int32)
    dst = edge_index[1].astype(jnp.int32)
    npad = E_PAD - E
    pad_src = jnp.full((npad,), N_PAD - 1, dtype=jnp.int32)
    pad_dst = N + (jnp.arange(npad, dtype=jnp.int32) % (N_PAD - N))
    src2d = jnp.concatenate([src, pad_src]).reshape(ECH, CHUNK)
    dst2d = jnp.concatenate([dst, pad_dst]).reshape(ECH, CHUNK)

    x_pad = jnp.pad(x, ((0, N_PAD - N), (0, 0)))

    ones16 = jnp.ones((CHUNK, DEG_W), jnp.float32)
    zeros16 = jnp.zeros((N_PAD, DEG_W), jnp.float32)

    pdeg = _sc_degrees(dst2d, ones16, zeros16)
    deg = pdeg[0, :, 0] + pdeg[1, :, 0] + 1.0
    valid = jnp.arange(N_PAD) < N
    dinv = jnp.where(valid, lax.rsqrt(deg), 0.0)
    rdinv = jnp.where(valid, jnp.sqrt(deg), 0.0)

    h = _mlp(x_pad, W1, b1.reshape(1, H), W2, b2.reshape(1, O))
    t2, sb = _prep(h, dinv[:, None])
    tk2 = _sc_k_loop(t2, sb, src2d, dst2d)
    return _final(tk2, rdinv[:, None])

# --- scband reference (transcript-rebuilt; emitter-appended) ---
"""Pipeline reference for scband-appnp-net-72164040507403 (READ-ONLY COPY).

The authoritative reference and input builder live on the scoring server;
editing this copy changes nothing except your own understanding.
"""

import jax, jax.numpy as jnp
import numpy as np

N = 10000
E = 320000
D = 128
H = 64
O = 64
K = 10
ALPHA = 0.1


def setup_inputs(seed: int = 0) -> dict:
    key = jax.random.key(seed)
    k1, k2, k3, k4, k5, k6 = jax.random.split(key, 6)
    x = jax.random.normal(k1, (N, D), dtype=jnp.float32)
    edge_index = jax.random.randint(k2, (2, E), 0, N)
    W1 = jax.random.normal(k3, (D, H), dtype=jnp.float32) * (1.0 / np.sqrt(D))
    b1 = jnp.zeros((H,), dtype=jnp.float32)
    W2 = jax.random.normal(k4, (H, O), dtype=jnp.float32) * (1.0 / np.sqrt(H))
    b2 = jnp.zeros((O,), dtype=jnp.float32)
    return {"x": x, "edge_index": edge_index, "W1": W1, "b1": b1, "W2": W2, "b2": b2}


def reference(x, edge_index, W1, b1, W2, b2):
    # eval mode: dropout is identity
    h = jax.nn.relu(x @ W1 + b1)
    h = h @ W2 + b2
    # APPNP propagation with GCN symmetric normalization + self loops
    loop = jnp.arange(N, dtype=edge_index.dtype)
    src = jnp.concatenate([edge_index[0], loop])
    dst = jnp.concatenate([edge_index[1], loop])
    deg = jax.ops.segment_sum(jnp.ones_like(dst, dtype=h.dtype), dst, num_segments=N)
    dinv = jnp.where(deg > 0, 1.0 / jnp.sqrt(deg), 0.0)
    norm = dinv[src] * dinv[dst]
    out = h
    for _ in range(K):
        msg = out[src] * norm[:, None]
        agg = jax.ops.segment_sum(msg, dst, num_segments=N)
        out = ALPHA * h + (1.0 - ALPHA) * agg
    return jax.nn.log_softmax(out, axis=1)

if __name__ == "__main__":
    import jax
    _d = setup_inputs()
    print(jax.jit(kernel)(*tuple(_d.values())))

</pallas_src>

<mosaic_0001>
#map = affine_map<(d0, d1) -> (0, 0)>
#map1 = affine_map<(d0, d1) -> (0, 0, 0)>
module attributes {stable_mosaic.version = 14 : i64} {
  func.func @_sc_deg_body(%arg0: i32, %arg1: i32, %arg2: memref<2560x128xi32, #tpu.memory_space<hbm>>, %arg3: memref<128x16xf32, #tpu.memory_space<hbm>>, %arg4: memref<10240x16xf32, #tpu.memory_space<hbm>>, %arg5: memref<2x10240x16xf32, #tpu.memory_space<hbm>>, %arg6: memref<8x128xi32, #tpu.memory_space<vmem>>, %arg7: memref<128x16xf32, #tpu.memory_space<vmem>>, %arg8: memref<10240x16xf32, #tpu.memory_space<vmem_shared>>, %arg9: memref<!tpu.dma_semaphore, #tpu.memory_space<semaphore_mem>>) attributes {dimension_semantics = [#tpu.dimension_semantics<core_parallel>, #tpu.dimension_semantics<subcore_parallel>], iteration_bounds = array<i64: 2, 16>, scalar_prefetch = 0 : i64, scratch_operands = 4 : i64, tpu.core_type = #tpu.core_type<sc_vector_subcore>, window_params = [{transform_indices = #map}, {transform_indices = #map}, {transform_indices = #map}, {transform_indices = #map1}]} {
    %mul3A = arith.constant 16 : i32
    %mul3A_0 = arith.muli %arg0, %mul3A : i32
    %add3A = arith.addi %mul3A_0, %arg1 : i32
    %mul3A_1 = arith.constant 80 : i32
    %mul3A_2 = arith.muli %add3A, %mul3A_1 : i32
    "tpu.region"() ({
      %run_scoped3A = tpu.sem_alloc : memref<!tpu.dma_semaphore, #tpu.memory_space<semaphore_mem>>
      tpu.enqueue_dma source(%arg3 : memref<128x16xf32, #tpu.memory_space<hbm>>) target(%arg7 : memref<128x16xf32, #tpu.memory_space<vmem>>) target_semaphore(%run_scoped3A : memref<!tpu.dma_semaphore, #tpu.memory_space<semaphore_mem>>)
      tpu.wait_dma2 semaphore(%run_scoped3A : memref<!tpu.dma_semaphore, #tpu.memory_space<semaphore_mem>>) src(%arg3 : memref<128x16xf32, #tpu.memory_space<hbm>>) dst(%arg7 : memref<128x16xf32, #tpu.memory_space<vmem>>)
      tpu.yield
    }) : () -> ()
    %mul3A_3 = arith.constant 640 : i32
    %mul3A_4 = arith.muli %arg1, %mul3A_3 : i32
    %mul3A_5 = arith.constant 640 : i32
    %mul3A_6 = arith.muli %arg1, %mul3A_5 : i32
    "tpu.region"() ({
      %run_scoped3A = tpu.sem_alloc : memref<!tpu.dma_semaphore, #tpu.memory_space<semaphore_mem>>
      %dma_start3A = arith.constant 0 : i32
      %dma_start3A_16 = tpu.memref_slice %arg8[%mul3A_6, %dma_start3A] : memref<10240x16xf32, #tpu.memory_space<vmem_shared>> -> memref<640x16xf32, #tpu.memory_space<vmem_shared>>
      %dma_start3A_17 = arith.constant 0 : i32
      %dma_start3A_18 = tpu.memref_slice %arg4[%mul3A_4, %dma_start3A_17] : memref<10240x16xf32, #tpu.memory_space<hbm>> -> memref<640x16xf32, #tpu.memory_space<hbm>>
      tpu.enqueue_dma source(%dma_start3A_18 : memref<640x16xf32, #tpu.memory_space<hbm>>) target(%dma_start3A_16 : memref<640x16xf32, #tpu.memory_space<vmem_shared>>) target_semaphore(%run_scoped3A : memref<!tpu.dma_semaphore, #tpu.memory_space<semaphore_mem>>)
      %dma_wait3A = arith.constant 0 : i32
      %dma_wait3A_19 = tpu.memref_slice %arg8[%mul3A_6, %dma_wait3A] : memref<10240x16xf32, #tpu.memory_space<vmem_shared>> -> memref<640x16xf32, #tpu.memory_space<vmem_shared>>
      %dma_wait3A_20 = arith.constant 0 : i32
      %dma_wait3A_21 = tpu.memref_slice %arg4[%mul3A_4, %dma_wait3A_20] : memref<10240x16xf32, #tpu.memory_space<hbm>> -> memref<640x16xf32, #tpu.memory_space<hbm>>
      tpu.wait_dma2 semaphore(%run_scoped3A : memref<!tpu.dma_semaphore, #tpu.memory_space<semaphore_mem>>) src(%dma_wait3A_21 : memref<640x16xf32, #tpu.memory_space<hbm>>) dst(%dma_wait3A_19 : memref<640x16xf32, #tpu.memory_space<vmem_shared>>)
      tpu.yield
    }) : () -> ()
    %barrier3A = arith.constant 0 : index
    tpu.barrier barrier_id(%barrier3A)
    %scan3A = arith.constant 0 : i32
    %scan3A_7 = arith.constant 10 : i32
    %scan3A_8 = arith.addi %scan3A, %scan3A_7 : i32
    %scan3A_9 = arith.constant 1 : i32
    scf.for %scan3A_16 = %scan3A to %scan3A_8 step %scan3A_9  : i32 {
      %mul3A_17 = arith.constant 1 : i32
      %mul3A_18 = arith.muli %scan3A_16, %mul3A_17 : i32
      %add3A_19 = arith.constant 0 : i32
      %add3A_20 = arith.addi %add3A_19, %mul3A_18 : i32
      %mul3A_21 = arith.constant 8 : i32
      %mul3A_22 = arith.muli %add3A_20, %mul3A_21 : i32
      %add3A_23 = arith.addi %mul3A_2, %mul3A_22 : i32
      "tpu.region"() ({
        %run_scoped3A = tpu.sem_alloc : memref<!tpu.dma_semaphore, #tpu.memory_space<semaphore_mem>>
        %dma_start3A_134 = arith.constant 0 : i32
        %dma_start3A_135 = tpu.memref_slice %arg2[%add3A_23, %dma_start3A_134] : memref<2560x128xi32, #tpu.memory_space<hbm>> -> memref<8x128xi32, #tpu.memory_space<hbm>>
        %dma_start3A_136 = arith.constant 0 : i32
        %dma_start3A_137 = tpu.memref_slice %arg2[%add3A_23, %dma_start3A_136] : memref<2560x128xi32, #tpu.memory_space<hbm>> -> memref<8x128xi32, #tpu.memory_space<hbm>>
        tpu.enqueue_dma source(%dma_start3A_137 : memref<8x128xi32, #tpu.memory_space<hbm>>) target(%arg6 : memref<8x128xi32, #tpu.memory_space<vmem>>) target_semaphore(%run_scoped3A : memref<!tpu.dma_semaphore, #tpu.memory_space<semaphore_mem>>)
        %dma_wait3A_138 = arith.constant 0 : i32
        %dma_wait3A_139 = tpu.memref_slice %arg2[%add3A_23, %dma_wait3A_138] : memref<2560x128xi32, #tpu.memory_space<hbm>> -> memref<8x128xi32, #tpu.memory_space<hbm>>
        %dma_wait3A_140 = arith.constant 0 : i32
        %dma_wait3A_141 = tpu.memref_slice %arg2[%add3A_23, %dma_wait3A_140] : memref<2560x128xi32, #tpu.memory_space<hbm>> -> memref<8x128xi32, #tpu.memory_space<hbm>>
        tpu.wait_dma2 semaphore(%run_scoped3A : memref<!tpu.dma_semaphore, #tpu.memory_space<semaphore_mem>>) src(%dma_wait3A_141 : memref<8x128xi32, #tpu.memory_space<hbm>>) dst(%arg6 : memref<8x128xi32, #tpu.memory_space<vmem>>)
        tpu.yield
      }) : () -> ()
      %dma_start3A = arith.constant 0 : i32
      %dma_start3A_24 = arith.constant 0 : i32
      %dma_start3A_25 = tpu.memref_slice %arg6[%dma_start3A, %dma_start3A_24] : memref<8x128xi32, #tpu.memory_space<vmem>> -> memref<1x128xi32, #tpu.memory_space<vmem>>
      %dma_start3A_26 = tpu.memref_squeeze %dma_start3A_25 : memref<1x128xi32, #tpu.memory_space<vmem>> -> memref<128xi32, #tpu.memory_space<vmem>>
      %dma_start3A_27 = arith.constant 0 : i32
      %dma_start3A_28 = arith.constant 0 : i32
      %dma_start3A_29 = tpu.memref_slice %arg8[%dma_start3A_27, %dma_start3A_28] : memref<10240x16xf32, #tpu.memory_space<vmem_shared>> -> memref<10240x16xf32, #tpu.memory_space<vmem_shared>>
      tpu.enqueue_indirect_dma source(%arg7 : memref<128x16xf32, #tpu.memory_space<vmem>>) target(%dma_start3A_29 : memref<10240x16xf32, #tpu.memory_space<vmem_shared>>) offsets(%dma_start3A_26 : memref<128xi32, #tpu.memory_space<vmem>>) semaphore(%arg9 : memref<!tpu.dma_semaphore, #tpu.memory_space<semaphore_mem>>) {add = true}
      %dma_start3A_30 = arith.constant 1 : i32
      %dma_start3A_31 = arith.constant 0 : i32
      %dma_start3A_32 = tpu.memref_slice %arg6[%dma_start3A_30, %dma_start3A_31] : memref<8x128xi32, #tpu.memory_space<vmem>> -> memref<1x128xi32, #tpu.memory_space<vmem>>
      %dma_start3A_33 = tpu.memref_squeeze %dma_start3A_32 : memref<1x128xi32, #tpu.memory_space<vmem>> -> memref<128xi32, #tpu.memory_space<vmem>>
      %dma_start3A_34 = arith.constant 0 : i32
      %dma_start3A_35 = arith.constant 0 : i32
      %dma_start3A_36 = tpu.memref_slice %arg8[%dma_start3A_34, %dma_start3A_35] : memref<10240x16xf32, #tpu.memory_space<vmem_shared>> -> memref<10240x16xf32, #tpu.memory_space<vmem_shared>>
      tpu.enqueue_indirect_dma source(%arg7 : memref<128x16xf32, #tpu.memory_space<vmem>>) target(%dma_start3A_36 : memref<10240x16xf32, #tpu.memory_space<vmem_shared>>) offsets(%dma_start3A_33 : memref<128xi32, #tpu.memory_space<vmem>>) semaphore(%arg9 : memref<!tpu.dma_semaphore, #tpu.memory_space<semaphore_mem>>) {add = true}
      %dma_start3A_37 = arith.constant 2 : i32
      %dma_start3A_38 = arith.constant 0 : i32
      %dma_start3A_39 = tpu.memref_slice %arg6[%dma_start3A_37, %dma_start3A_38] : memref<8x128xi32, #tpu.memory_space<vmem>> -> memref<1x128xi32, #tpu.memory_space<vmem>>
      %dma_start3A_40 = tpu.memref_squeeze %dma_start3A_39 : memref<1x128xi32, #tpu.memory_space<vmem>> -> memref<128xi32, #tpu.memory_space<vmem>>
      %dma_start3A_41 = arith.constant 0 : i32
      %dma_start3A_42 = arith.constant 0 : i32
      %dma_start3A_43 = tpu.memref_slice %arg8[%dma_start3A_41, %dma_start3A_42] : memref<10240x16xf32, #tpu.memory_space<vmem_shared>> -> memref<10240x16xf32, #tpu.memory_space<vmem_shared>>
      tpu.enqueue_indirect_dma source(%arg7 : memref<128x16xf32, #tpu.memory_space<vmem>>) target(%dma_start3A_43 : memref<10240x16xf32, #tpu.memory_space<vmem_shared>>) offsets(%dma_start3A_40 : memref<128xi32, #tpu.memory_space<vmem>>) semaphore(%arg9 : memref<!tpu.dma_semaphore, #tpu.memory_space<semaphore_mem>>) {add = true}
      %dma_start3A_44 = arith.constant 3 : i32
      %dma_start3A_45 = arith.constant 0 : i32
      %dma_start3A_46 = tpu.memref_slice %arg6[%dma_start3A_44, %dma_start3A_45] : memref<8x128xi32, #tpu.memory_space<vmem>> -> memref<1x128xi32, #tpu.memory_space<vmem>>
      %dma_start3A_47 = tpu.memref_squeeze %dma_start3A_46 : memref<1x128xi32, #tpu.memory_space<vmem>> -> memref<128xi32, #tpu.memory_space<vmem>>
      %dma_start3A_48 = arith.constant 0 : i32
      %dma_start3A_49 = arith.constant 0 : i32
      %dma_start3A_50 = tpu.memref_slice %arg8[%dma_start3A_48, %dma_start3A_49] : memref<10240x16xf32, #tpu.memory_space<vmem_shared>> -> memref<10240x16xf32, #tpu.memory_space<vmem_shared>>
      tpu.enqueue_indirect_dma source(%arg7 : memref<128x16xf32, #tpu.memory_space<vmem>>) target(%dma_start3A_50 : memref<10240x16xf32, #tpu.memory_space<vmem_shared>>) offsets(%dma_start3A_47 : memref<128xi32, #tpu.memory_space<vmem>>) semaphore(%arg9 : memref<!tpu.dma_semaphore, #tpu.memory_space<semaphore_mem>>) {add = true}
      %dma_start3A_51 = arith.constant 4 : i32
      %dma_start3A_52 = arith.constant 0 : i32
      %dma_start3A_53 = tpu.memref_slice %arg6[%dma_start3A_51, %dma_start3A_52] : memref<8x128xi32, #tpu.memory_space<vmem>> -> memref<1x128xi32, #tpu.memory_space<vmem>>
      %dma_start3A_54 = tpu.memref_squeeze %dma_start3A_53 : memref<1x128xi32, #tpu.memory_space<vmem>> -> memref<128xi32, #tpu.memory_space<vmem>>
      %dma_start3A_55 = arith.constant 0 : i32
      %dma_start3A_56 = arith.constant 0 : i32
      %dma_start3A_57 = tpu.memref_slice %arg8[%dma_start3A_55, %dma_start3A_56] : memref<10240x16xf32, #tpu.memory_space<vmem_shared>> -> memref<10240x16xf32, #tpu.memory_space<vmem_shared>>
      tpu.enqueue_indirect_dma source(%arg7 : memref<128x16xf32, #tpu.memory_space<vmem>>) target(%dma_start3A_57 : memref<10240x16xf32, #tpu.memory_space<vmem_shared>>) offsets(%dma_start3A_54 : memref<128xi32, #tpu.memory_space<vmem>>) semaphore(%arg9 : memref<!tpu.dma_semaphore, #tpu.memory_space<semaphore_mem>>) {add = true}
      %dma_start3A_58 = arith.constant 5 : i32
      %dma_start3A_59 = arith.constant 0 : i32
      %dma_start3A_60 = tpu.memref_slice %arg6[%dma_start3A_58, %dma_start3A_59] : memref<8x128xi32, #tpu.memory_space<vmem>> -> memref<1x128xi32, #tpu.memory_space<vmem>>
      %dma_start3A_61 = tpu.memref_squeeze %dma_start3A_60 : memref<1x128xi32, #tpu.memory_space<vmem>> -> memref<128xi32, #tpu.memory_space<vmem>>
      %dma_start3A_62 = arith.constant 0 : i32
      %dma_start3A_63 = arith.constant 0 : i32
      %dma_start3A_64 = tpu.memref_slice %arg8[%dma_start3A_62, %dma_start3A_63] : memref<10240x16xf32, #tpu.memory_space<vmem_shared>> -> memref<10240x16xf32, #tpu.memory_space<vmem_shared>>
      tpu.enqueue_indirect_dma source(%arg7 : memref<128x16xf32, #tpu.memory_space<vmem>>) target(%dma_start3A_64 : memref<10240x16xf32, #tpu.memory_space<vmem_shared>>) offsets(%dma_start3A_61 : memref<128xi32, #tpu.memory_space<vmem>>) semaphore(%arg9 : memref<!tpu.dma_semaphore, #tpu.memory_space<semaphore_mem>>) {add = true}
      %dma_start3A_65 = arith.constant 6 : i32
      %dma_start3A_66 = arith.constant 0 : i32
      %dma_start3A_67 = tpu.memref_slice %arg6[%dma_start3A_65, %dma_start3A_66] : memref<8x128xi32, #tpu.memory_space<vmem>> -> memref<1x128xi32, #tpu.memory_space<vmem>>
      %dma_start3A_68 = tpu.memref_squeeze %dma_start3A_67 : memref<1x128xi32, #tpu.memory_space<vmem>> -> memref<128xi32, #tpu.memory_space<vmem>>
      %dma_start3A_69 = arith.constant 0 : i32
      %dma_start3A_70 = arith.constant 0 : i32
      %dma_start3A_71 = tpu.memref_slice %arg8[%dma_start3A_69, %dma_start3A_70] : memref<10240x16xf32, #tpu.memory_space<vmem_shared>> -> memref<10240x16xf32, #tpu.memory_space<vmem_shared>>
      tpu.enqueue_indirect_dma source(%arg7 : memref<128x16xf32, #tpu.memory_space<vmem>>) target(%dma_start3A_71 : memref<10240x16xf32, #tpu.memory_space<vmem_shared>>) offsets(%dma_start3A_68 : memref<128xi32, #tpu.memory_space<vmem>>) semaphore(%arg9 : memref<!tpu.dma_semaphore, #tpu.memory_space<semaphore_mem>>) {add = true}
      %dma_start3A_72 = arith.constant 7 : i32
      %dma_start3A_73 = arith.constant 0 : i32
      %dma_start3A_74 = tpu.memref_slice %arg6[%dma_start3A_72, %dma_start3A_73] : memref<8x128xi32, #tpu.memory_space<vmem>> -> memref<1x128xi32, #tpu.memory_space<vmem>>
      %dma_start3A_75 = tpu.memref_squeeze %dma_start3A_74 : memref<1x128xi32, #tpu.memory_space<vmem>> -> memref<128xi32, #tpu.memory_space<vmem>>
      %dma_start3A_76 = arith.constant 0 : i32
      %dma_start3A_77 = arith.constant 0 : i32
      %dma_start3A_78 = tpu.memref_slice %arg8[%dma_start3A_76, %dma_start3A_77] : memref<10240x16xf32, #tpu.memory_space<vmem_shared>> -> memref<10240x16xf32, #tpu.memory_space<vmem_shared>>
      tpu.enqueue_indirect_dma source(%arg7 : memref<128x16xf32, #tpu.memory_space<vmem>>) target(%dma_start3A_78 : memref<10240x16xf32, #tpu.memory_space<vmem_shared>>) offsets(%dma_start3A_75 : memref<128xi32, #tpu.memory_space<vmem>>) semaphore(%arg9 : memref<!tpu.dma_semaphore, #tpu.memory_space<semaphore_mem>>) {add = true}
      %dma_wait3A = arith.constant 0 : i32
      %dma_wait3A_79 = arith.constant 0 : i32
      %dma_wait3A_80 = tpu.memref_slice %arg6[%dma_wait3A, %dma_wait3A_79] : memref<8x128xi32, #tpu.memory_space<vmem>> -> memref<1x128xi32, #tpu.memory_space<vmem>>
      %dma_wait3A_81 = tpu.memref_squeeze %dma_wait3A_80 : memref<1x128xi32, #tpu.memory_space<vmem>> -> memref<128xi32, #tpu.memory_space<vmem>>
      %dma_wait3A_82 = arith.constant 0 : i32
      %dma_wait3A_83 = arith.constant 0 : i32
      %dma_wait3A_84 = tpu.memref_slice %arg8[%dma_wait3A_82, %dma_wait3A_83] : memref<10240x16xf32, #tpu.memory_space<vmem_shared>> -> memref<10240x16xf32, #tpu.memory_space<vmem_shared>>
      tpu.wait_indirect_dma semaphore(%arg9 : memref<!tpu.dma_semaphore, #tpu.memory_space<semaphore_mem>>) src(%arg7 : memref<128x16xf32, #tpu.memory_space<vmem>>) dst(%dma_wait3A_84 : memref<10240x16xf32, #tpu.memory_space<vmem_shared>>)
      %dma_wait3A_85 = arith.constant 1 : i32
      %dma_wait3A_86 = arith.constant 0 : i32
      %dma_wait3A_87 = tpu.memref_slice %arg6[%dma_wait3A_85, %dma_wait3A_86] : memref<8x128xi32, #tpu.memory_space<vmem>> -> memref<1x128xi32, #tpu.memory_space<vmem>>
      %dma_wait3A_88 = tpu.memref_squeeze %dma_wait3A_87 : memref<1x128xi32, #tpu.memory_space<vmem>> -> memref<128xi32, #tpu.memory_space<vmem>>
      %dma_wait3A_89 = arith.constant 0 : i32
      %dma_wait3A_90 = arith.constant 0 : i32
      %dma_wait3A_91 = tpu.memref_slice %arg8[%dma_wait3A_89, %dma_wait3A_90] : memref<10240x16xf32, #tpu.memory_space<vmem_shared>> -> memref<10240x16xf32, #tpu.memory_space<vmem_shared>>
      tpu.wait_indirect_dma semaphore(%arg9 : memref<!tpu.dma_semaphore, #tpu.memory_space<semaphore_mem>>) src(%arg7 : memref<128x16xf32, #tpu.memory_space<vmem>>) dst(%dma_wait3A_91 : memref<10240x16xf32, #tpu.memory_space<vmem_shared>>)
      %dma_wait3A_92 = arith.constant 2 : i32
      %dma_wait3A_93 = arith.constant 0 : i32
      %dma_wait3A_94 = tpu.memref_slice %arg6[%dma_wait3A_92, %dma_wait3A_93] : memref<8x128xi32, #tpu.memory_space<vmem>> -> memref<1x128xi32, #tpu.memory_space<vmem>>
      %dma_wait3A_95 = tpu.memref_squeeze %dma_wait3A_94 : memref<1x128xi32, #tpu.memory_space<vmem>> -> memref<128xi32, #tpu.memory_space<vmem>>
      %dma_wait3A_96 = arith.constant 0 : i32
      %dma_wait3A_97 = arith.constant 0 : i32
      %dma_wait3A_98 = tpu.memref_slice %arg8[%dma_wait3A_96, %dma_wait3A_97] : memref<10240x16xf32, #tpu.memory_space<vmem_shared>> -> memref<10240x16xf32, #tpu.memory_space<vmem_shared>>
      tpu.wait_indirect_dma semaphore(%arg9 : memref<!tpu.dma_semaphore, #tpu.memory_space<semaphore_mem>>) src(%arg7 : memref<128x16xf32, #tpu.memory_space<vmem>>) dst(%dma_wait3A_98 : memref<10240x16xf32, #tpu.memory_space<vmem_shared>>)
      %dma_wait3A_99 = arith.constant 3 : i32
      %dma_wait3A_100 = arith.constant 0 : i32
      %dma_wait3A_101 = tpu.memref_slice %arg6[%dma_wait3A_99, %dma_wait3A_100] : memref<8x128xi32, #tpu.memory_space<vmem>> -> memref<1x128xi32, #tpu.memory_space<vmem>>
      %dma_wait3A_102 = tpu.memref_squeeze %dma_wait3A_101 : memref<1x128xi32, #tpu.memory_space<vmem>> -> memref<128xi32, #tpu.memory_space<vmem>>
      %dma_wait3A_103 = arith.constant 0 : i32
      %dma_wait3A_104 = arith.constant 0 : i32
      %dma_wait3A_105 = tpu.memref_slice %arg8[%dma_wait3A_103, %dma_wait3A_104] : memref<10240x16xf32, #tpu.memory_space<vmem_shared>> -> memref<10240x16xf32, #tpu.memory_space<vmem_shared>>
      tpu.wait_indirect_dma semaphore(%arg9 : memref<!tpu.dma_semaphore, #tpu.memory_space<semaphore_mem>>) src(%arg7 : memref<128x16xf32, #tpu.memory_space<vmem>>) dst(%dma_wait3A_105 : memref<10240x16xf32, #tpu.memory_space<vmem_shared>>)
      %dma_wait3A_106 = arith.constant 4 : i32
      %dma_wait3A_107 = arith.constant 0 : i32
      %dma_wait3A_108 = tpu.memref_slice %arg6[%dma_wait3A_106, %dma_wait3A_107] : memref<8x128xi32, #tpu.memory_space<vmem>> -> memref<1x128xi32, #tpu.memory_space<vmem>>
      %dma_wait3A_109 = tpu.memref_squeeze %dma_wait3A_108 : memref<1x128xi32, #tpu.memory_space<vmem>> -> memref<128xi32, #tpu.memory_space<vmem>>
      %dma_wait3A_110 = arith.constant 0 : i32
      %dma_wait3A_111 = arith.constant 0 : i32
      %dma_wait3A_112 = tpu.memref_slice %arg8[%dma_wait3A_110, %dma_wait3A_111] : memref<10240x16xf32, #tpu.memory_space<vmem_shared>> -> memref<10240x16xf32, #tpu.memory_space<vmem_shared>>
      tpu.wait_indirect_dma semaphore(%arg9 : memref<!tpu.dma_semaphore, #tpu.memory_space<semaphore_mem>>) src(%arg7 : memref<128x16xf32, #tpu.memory_space<vmem>>) dst(%dma_wait3A_112 : memref<10240x16xf32, #tpu.memory_space<vmem_shared>>)
      %dma_wait3A_113 = arith.constant 5 : i32
      %dma_wait3A_114 = arith.constant 0 : i32
      %dma_wait3A_115 = tpu.memref_slice %arg6[%dma_wait3A_113, %dma_wait3A_114] : memref<8x128xi32, #tpu.memory_space<vmem>> -> memref<1x128xi32, #tpu.memory_space<vmem>>
      %dma_wait3A_116 = tpu.memref_squeeze %dma_wait3A_115 : memref<1x128xi32, #tpu.memory_space<vmem>> -> memref<128xi32, #tpu.memory_space<vmem>>
      %dma_wait3A_117 = arith.constant 0 : i32
      %dma_wait3A_118 = arith.constant 0 : i32
      %dma_wait3A_119 = tpu.memref_slice %arg8[%dma_wait3A_117, %dma_wait3A_118] : memref<10240x16xf32, #tpu.memory_space<vmem_shared>> -> memref<10240x16xf32, #tpu.memory_space<vmem_shared>>
      tpu.wait_indirect_dma semaphore(%arg9 : memref<!tpu.dma_semaphore, #tpu.memory_space<semaphore_mem>>) src(%arg7 : memref<128x16xf32, #tpu.memory_space<vmem>>) dst(%dma_wait3A_119 : memref<10240x16xf32, #tpu.memory_space<vmem_shared>>)
      %dma_wait3A_120 = arith.constant 6 : i32
      %dma_wait3A_121 = arith.constant 0 : i32
      %dma_wait3A_122 = tpu.memref_slice %arg6[%dma_wait3A_120, %dma_wait3A_121] : memref<8x128xi32, #tpu.memory_space<vmem>> -> memref<1x128xi32, #tpu.memory_space<vmem>>
      %dma_wait3A_123 = tpu.memref_squeeze %dma_wait3A_122 : memref<1x128xi32, #tpu.memory_space<vmem>> -> memref<128xi32, #tpu.memory_space<vmem>>
      %dma_wait3A_124 = arith.constant 0 : i32
      %dma_wait3A_125 = arith.constant 0 : i32
      %dma_wait3A_126 = tpu.memref_slice %arg8[%dma_wait3A_124, %dma_wait3A_125] : memref<10240x16xf32, #tpu.memory_space<vmem_shared>> -> memref<10240x16xf32, #tpu.memory_space<vmem_shared>>
      tpu.wait_indirect_dma semaphore(%arg9 : memref<!tpu.dma_semaphore, #tpu.memory_space<semaphore_mem>>) src(%arg7 : memref<128x16xf32, #tpu.memory_space<vmem>>) dst(%dma_wait3A_126 : memref<10240x16xf32, #tpu.memory_space<vmem_shared>>)
      %dma_wait3A_127 = arith.constant 7 : i32
      %dma_wait3A_128 = arith.constant 0 : i32
      %dma_wait3A_129 = tpu.memref_slice %arg6[%dma_wait3A_127, %dma_wait3A_128] : memref<8x128xi32, #tpu.memory_space<vmem>> -> memref<1x128xi32, #tpu.memory_space<vmem>>
      %dma_wait3A_130 = tpu.memref_squeeze %dma_wait3A_129 : memref<1x128xi32, #tpu.memory_space<vmem>> -> memref<128xi32, #tpu.memory_space<vmem>>
      %dma_wait3A_131 = arith.constant 0 : i32
      %dma_wait3A_132 = arith.constant 0 : i32
      %dma_wait3A_133 = tpu.memref_slice %arg8[%dma_wait3A_131, %dma_wait3A_132] : memref<10240x16xf32, #tpu.memory_space<vmem_shared>> -> memref<10240x16xf32, #tpu.memory_space<vmem_shared>>
      tpu.wait_indirect_dma semaphore(%arg9 : memref<!tpu.dma_semaphore, #tpu.memory_space<semaphore_mem>>) src(%arg7 : memref<128x16xf32, #tpu.memory_space<vmem>>) dst(%dma_wait3A_133 : memref<10240x16xf32, #tpu.memory_space<vmem_shared>>)
    }
    %scan3A_10 = arith.constant 10 : i32
    %barrier3A_11 = arith.constant 0 : index
    tpu.barrier barrier_id(%barrier3A_11)
    %mul3A_12 = arith.constant 640 : i32
    %mul3A_13 = arith.muli %arg1, %mul3A_12 : i32
    %mul3A_14 = arith.constant 640 : i32
    %mul3A_15 = arith.muli %arg1, %mul3A_14 : i32
    "tpu.region"() ({
      %run_scoped3A = tpu.sem_alloc : memref<!tpu.dma_semaphore, #tpu.memory_space<semaphore_mem>>
      %dma_start3A = arith.constant 0 : i32
      %dma_start3A_16 = arith.constant 0 : i32
      %dma_start3A_17 = tpu.memref_slice %arg5[%arg0, %dma_start3A, %dma_start3A_16] : memref<2x10240x16xf32, #tpu.memory_space<hbm>> -> memref<1x10240x16xf32, #tpu.memory_space<hbm>>
      %dma_start3A_18 = tpu.memref_squeeze %dma_start3A_17 : memref<1x10240x16xf32, #tpu.memory_space<hbm>> -> memref<10240x16xf32, #tpu.memory_space<hbm>>
      %dma_start3A_19 = arith.constant 0 : i32
      %dma_start3A_20 = tpu.memref_slice %dma_start3A_18[%mul3A_15, %dma_start3A_19] : memref<10240x16xf32, #tpu.memory_space<hbm>> -> memref<640x16xf32, #tpu.memory_space<hbm>>
      %dma_start3A_21 = arith.constant 0 : i32
      %dma_start3A_22 = tpu.memref_slice %arg8[%mul3A_13, %dma_start3A_21] : memref<10240x16xf32, #tpu.memory_space<vmem_shared>> -> memref<640x16xf32, #tpu.memory_space<vmem_shared>>
      tpu.enqueue_dma source(%dma_start3A_22 : memref<640x16xf32, #tpu.memory_space<vmem_shared>>) target(%dma_start3A_20 : memref<640x16xf32, #tpu.memory_space<hbm>>) target_semaphore(%run_scoped3A : memref<!tpu.dma_semaphore, #tpu.memory_space<semaphore_mem>>)
      %dma_wait3A = arith.constant 0 : i32
      %dma_wait3A_23 = arith.constant 0 : i32
      %dma_wait3A_24 = tpu.memref_slice %arg5[%arg0, %dma_wait3A, %dma_wait3A_23] : memref<2x10240x16xf32, #tpu.memory_space<hbm>> -> memref<1x10240x16xf32, #tpu.memory_space<hbm>>
      %dma_wait3A_25 = tpu.memref_squeeze %dma_wait3A_24 : memref<1x10240x16xf32, #tpu.memory_space<hbm>> -> memref<10240x16xf32, #tpu.memory_space<hbm>>
      %dma_wait3A_26 = arith.constant 0 : i32
      %dma_wait3A_27 = tpu.memref_slice %dma_wait3A_25[%mul3A_15, %dma_wait3A_26] : memref<10240x16xf32, #tpu.memory_space<hbm>> -> memref<640x16xf32, #tpu.memory_space<hbm>>
      %dma_wait3A_28 = arith.constant 0 : i32
      %dma_wait3A_29 = tpu.memref_slice %arg8[%mul3A_13, %dma_wait3A_28] : memref<10240x16xf32, #tpu.memory_space<vmem_shared>> -> memref<640x16xf32, #tpu.memory_space<vmem_shared>>
      tpu.wait_dma2 semaphore(%run_scoped3A : memref<!tpu.dma_semaphore, #tpu.memory_space<semaphore_mem>>) src(%dma_wait3A_29 : memref<640x16xf32, #tpu.memory_space<vmem_shared>>) dst(%dma_wait3A_27 : memref<640x16xf32, #tpu.memory_space<hbm>>)
      tpu.yield
    }) : () -> ()
    return
  }
}

</mosaic_0001>

<sc_bundles>
// kernel: _sc_degrees.3.cloned.1.call-start
scs
__scs_entry_jumppad:
0x0: {  	(pc) =	sbr.rel $0x88, $3  }
0x1: {  	(tag) =	ssettag $0x0;
	lr =	simm.s32 $0x1  }
0x2: {  	[smem:$0x3F9E] =	sst lr;
	_ =	strace $0xD0000000  }
0x3: {  	_ = 	snop  }
0x4: {  	_ = 	snop  }
0x5: {  	_ = 	snop  }
0x6: {  	_ = 	snop  }
0x7: {  	_ = 	snop  }
__scs_overlays_trampoline_lowered:
0x8: {  	[smem:$0x3FAD] =	sst s0  }
0x9: {  	[smem:$0x3FAE] =	sst s1  }
0xa: {  	[smem:$0x3FAF] =	sst s2  }
0xb: {  	[smem:$0x3FB0] =	sst s3  }
0xc: {  	[smem:$0x3FB1] =	sst s4  }
0xd: {  	[smem:$0x3FB2] =	sst s5  }
0xe: {  	[smem:$0x3FB3] =	sst s6  }
0xf: {  	[smem:$0x3FB4] =	sst s7  }
0x10: {  	[smem:$0x3FB5] =	sst s8  }
0x11: {  	[smem:$0x3FB6] =	sst s9;
	s0 =	simm.s32 @!p0 $0x0  }
0x12: {  	s1 =	sld [smem:$0x3F9C];
	s0 =	simm.s32 @p0 $0x1  }
0x13: {  	[smem:$0x3FB7] =	sst s0;
	s0 =	simm.s32 @!p1 $0x0  }
0x14: {  	s2 =	sld [smem:$0x3F9B];
	s0 =	simm.s32 @p1 $0x1  }
0x15: {  	[smem:$0x3FB8] =	sst s0;
	s0 =	simm.s32 @!p2 $0x0  }
0x16: {  	s3 =	sld [smem:$0x3FDB];
	s0 =	simm.s32 @p2 $0x1  }
0x17: {  	s4 =	simm.s32 $0x1BF5;
	[smem:$0x3FBA] =	sst s0  }
0x18: {  	s0 =	sld [smem:$0x3F9D];
	_ =	swait.ge [sflag:s4], $0x0  }
0x19: {  	s7 =	sld [smem:$0x3F9E]  }
0x1a: {  	s8 =	sadd.s32 $0xFFFFE003, lr  }
0x1b: {  	s9 =	sadd.s32 $0xFFFFFEF7, lr;
	s5 =	simm.s32 $0xFFFFFFFF;
	p2 =	slt.u32 s8, $0xFFFFF086  }
0x1c: {  	p1 =	slt.u32 s9, $0xF7A;
	s5 =	simm.s32 @!p2 $0x0  }
0x1d: {  	s5 =	simm.s32 @p1 $0x1;
	p0 =	seq.s32 s7, s2  }
0x1e: {  	s7 =	smul.u32 @!p0 $0xF7A, s2;
	p2 =	seq.s32 @!p0 s5, $0x0  }
0x1f: {  	s9 =	smul.u32 $0xF7A, s1;
	s8 =	simm.s32 @!p0 $0x1BF5;
	p2 =	por !p2, p0  }
0x20: {  	[sflag:s8] =	ssyncset.s32 @!p0 $0xFFFFF086;
	s6 =	sadd.s32 @!p0 s3, s7;
	s7 =	simm.s32 @!p0 $0x108  }
0x21: {  	s3 =	sadd.s32 s3, s9;
	s6 =	sadd.s32 @!p0 $0x88, s6;
	s7 =	simm.s32 @p2 $0x1082  }
0x22: {  	[simem:s7], [sflag:s8] =	dma.local @!p0 [hbm:s6], $0xF7A  }
0x23: {  	s9 =	sor.u32 $0xD0000000, s2;
	s6 =	simm.s32 $0x108;
	_ =	swait.ge @!p0 [sflag:s8], $0x0  }
0x24: {  	s3 =	sadd.s32 $0x88, s3;
	s6 =	simm.s32 @!p1 $0x1082;
	[sflag:s4] =	ssyncset.s32 $0xFFFFF086  }
0x25: {  	[simem:s6], [sflag:s4] =	dma.local [hbm:s3], $0xF7A  }
0x26: {  	[smem:$0x3F9E] =	sst s1;
	(tag) =	ssettag s2;
	_ =	strace s9  }
0x27: {  	s1 =	sld [smem:$0x3FAE]  }
0x28: {  	s2 =	sld [smem:$0x3FAF]  }
0x29: {  	s4 =	sld [smem:$0x3FB1]  }
0x2a: {  	p0 =	seq.s32 s5, $0x0;
	s5 =	sld [smem:$0x3FB2]  }
0x2b: {  	s6 =	sld [smem:$0x3FB3]  }
0x2c: {  	s7 =	sld [smem:$0x3FB4]  }
0x2d: {  	s3 =	simm.s32 $0x108;
	s8 =	sld [smem:$0x3FB5]  }
0x2e: {  	s3 =	simm.s32 @!p0 $0x1082;
	s9 =	sld [smem:$0x3FB6]  }
0x2f: {  	lr =	sadd.s32 s0, s3;
	s0 =	sld [smem:$0x3FAD]  }
0x30: {  	s3 =	sld [smem:$0x3FB0]  }
0x31: {  	[smem:$0x3FB9] =	sst s10  }
0x32: {  	s10 =	sld [smem:$0x3FB7];
	_ =	sdelay $0x3  }
0x33: {  	p0 =	seq.s32 s10, $0x1;
	s10 =	sld [smem:$0x3FB9];
	_ =	sdelay $0x3  }
0x34: {  	[smem:$0x3FB9] =	sst s10  }
0x35: {  	s10 =	sld [smem:$0x3FB8];
	_ =	sdelay $0x3  }
0x36: {  	p1 =	seq.s32 s10, $0x1;
	s10 =	sld [smem:$0x3FB9];
	_ =	sdelay $0x3  }
0x37: {  	[smem:$0x3FB9] =	sst s10  }
0x38: {  	s10 =	sld [smem:$0x3FBA]  }
0x39: {  	_ = 	snop;
	(pc) =	sbr.ind lr, $3  }
0x3a: {  	_ = 	snop  }
0x3b: {  	_ = 	snop  }
0x3c: {  	p2 =	seq.s32 s10, $0x1;
	s10 =	sld [smem:$0x3FB9]  }
0x3d: {  	_ =	shalt  }
0x3e: {  	_ =	shalt  }
0x3f: {  	_ =	shalt  }
0x40: {  	_ =	shalt  }
0x41: {  	_ =	shalt  }
0x42: {  	_ =	shalt  }
0x43: {  	_ =	shalt  }
0x44: {  	_ =	shalt  }
0x45: {  	_ =	shalt  }
0x46: {  	_ =	shalt  }
0x47: {  	_ =	shalt  }
0x48: {  	_ =	shalt  }
0x49: {  	_ =	shalt  }
0x4a: {  	_ =	shalt  }
0x4b: {  	_ =	shalt  }
0x4c: {  	_ =	shalt  }
0x4d: {  	_ =	shalt  }
0x4e: {  	_ =	shalt  }
0x4f: {  	_ =	shalt  }
0x50: {  	_ =	shalt  }
0x51: {  	_ =	shalt  }
0x52: {  	_ =	shalt  }
0x53: {  	_ =	shalt  }
0x54: {  	_ =	shalt  }
0x55: {  	_ =	shalt  }
0x56: {  	_ =	shalt  }
0x57: {  	_ =	shalt  }
0x58: {  	_ =	shalt  }
0x59: {  	_ =	shalt  }
0x5a: {  	_ =	shalt  }
0x5b: {  	_ =	shalt  }
0x5c: {  	_ =	shalt  }
0x5d: {  	_ =	shalt  }
0x5e: {  	_ =	shalt  }
0x5f: {  	_ =	shalt  }
0x60: {  	_ =	shalt  }
0x61: {  	_ =	shalt  }
0x62: {  	_ =	shalt  }
0x63: {  	_ =	shalt  }
0x64: {  	_ =	shalt  }
0x65: {  	_ =	shalt  }
0x66: {  	_ =	shalt  }
0x67: {  	_ =	shalt  }
0x68: {  	_ =	shalt  }
0x69: {  	_ =	shalt  }
0x6a: {  	_ =	shalt  }
0x6b: {  	_ =	shalt  }
0x6c: {  	_ =	shalt  }
0x6d: {  	_ =	shalt  }
0x6e: {  	_ =	shalt  }
0x6f: {  	_ =	shalt  }
0x70: {  	_ =	shalt  }
0x71: {  	_ =	shalt  }
0x72: {  	_ =	shalt  }
0x73: {  	_ =	shalt  }
0x74: {  	_ =	shalt  }
0x75: {  	_ =	shalt  }
0x76: {  	_ =	shalt  }
0x77: {  	_ =	shalt  }
0x78: {  	_ =	shalt  }
0x79: {  	_ =	shalt  }
0x7a: {  	_ =	shalt  }
0x7b: {  	_ =	shalt  }
0x7c: {  	_ =	shalt  }
0x7d: {  	_ =	shalt  }
0x7e: {  	_ =	shalt  }
0x7f: {  	_ =	shalt  }
0x80: {  	_ =	shalt  }
0x81: {  	_ =	shalt  }
0x82: {  	_ =	shalt  }
0x83: {  	_ =	shalt  }
0x84: {  	_ =	shalt  }
0x85: {  	_ =	shalt  }
0x86: {  	_ =	shalt  }
0x87: {  	_ =	shalt  }
.Lfunc_end0:
.L_simem_size_0:
called_computation_lowered:
.L_overlay_start_0:
0x88: {  	s2 =	sld [smem:$0x3FD9]  }
0x89: {  	s3 =	sld [smem:$0x3FFE];
	_ =	sdelay $0x1  }
0x8a: {  	s1 =	srdreg.scid  }
0x8b: {  	s0 =	sand.u32 $0x1, s1  }
0x8c: {  	s17 =	sshll.u32 s0, $0xA;
	s2 =	sadd.s32 s3, s2  }
0x8d: {  	s2 =	sadd.s32 s2, s17  }
0x8e: {  	[smem:$0x3FC5] =	sst s2  }
0x8f: {  	_ = 	snop  }
0x90: {  	s2 =	sld [smem:$0x3FC9]  }
0x91: {  	s18 =	sld [smem:$0x3FD0];
	(tm) =	ssettm $0x1  }
0x92: {  	s4 =	sld [smem:$0x3FFB];
	_ =	sdelay $0x3  }
0x93: {  	_ =	strace s4  }
0x94: {  	s4 =	sld [smem:$0x3FFC];
	_ =	sdelay $0x3  }
0x95: {  	_ =	strace s4  }
0x96: {  	s4 =	sld [smem:$0x3FFD];
	_ =	sdelay $0x3  }
0x97: {  	_ =	strace s4  }
0x98: {  	_ =	strace $0x8FFFFFFF  }
0x99: {  	s19 =	sld [smem:$0x3FDB];
	_ =	sdelay $0x1  }
0x9a: {  	s5 =	simm.s32 $_scs_section_size  }
0x9b: {  	s6 =	simm.s32 $_size__tile_overlayer_lowered;
	s7 =	simm.s32 $_tile_overlayer_lowered  }
0x9c: {  	s22 =	simm.s32 $0x1BFF;
	s21 =	sshll.u32 s7, $0x1;
	s4 =	sadd.s32 s5, s19  }
0x9d: {  	s8 =	simm.s32 $0x0;
	s20 =	sshll.u32 s6, $0x1;
	s6 =	sadd.s32 s21, s4  }
0x9e: {  	[timem:s8], [sflag:s22] =	dma.local [hbm:s6], s20  }
0x9f: {  	_ =	swait.ge [sflag:s22], s20  }
0xa0: {  	s5 =	ssub.s32 $0x0, s20;
	[sflag:s22] =	ssyncset.done $0x0  }
0xa1: {  	[sflag:s22] =	ssyncadd.s32 s5;
	_ =	sdelay $0x1  }
0xa2: {  	s23 =	simm.s32 $0x1B8B  }
0xa3: {  	_ =	swait.ge [sflag:s23], $0x1  }
0xa4: {  	[sflag:s23] =	ssyncset.done $0x0  }
0xa5: {  	s25 =	simm.s32 $0x1B8E;
	s24 =	sld [smem:$0x3FFE];
	[sflag:s23] =	ssyncadd.s32 $0xFFFFFFFF  }
0xa6: {  	s26 =	simm.s32 $execute0_lowered;
	[smem:$0x3FD2] =	sst s25  }
0xa7: {  	s6 =	sshll.u32 s26, $0x1;
	_ =	strace $0x80000046;
	[dreg:$0x1] =	wrdreg $0xFFFFFFFF  }
0xa8: {  	s28 =	simm.s32 $_size_execute0_lowered;
	s4 =	sadd.s32 s4, s6;
	[dreg:$0x0] =	wrdreg $0x0  }
0xa9: {  	s6 =	sshll.u32 s28, $0x1;
	[dreg:$0x2] =	wrdreg s4  }
0xaa: {  	[dreg:$0x3] =	wrdreg s6  }
0xab: {  	[dreg:$0x4] =	wrdreg $0xC0  }
0xac: {  	_ =	task [dreg:s8], $0x5FFFF  }
0xad: {  	[dreg:$0x1] =	wrdreg $0xFFFFFFFF  }
0xae: {  	[dreg:$0x0] =	wrdreg $0x60  }
0xaf: {  	[dreg:$0x2] =	wrdreg s2  }
0xb0: {  	[dreg:$0x3] =	wrdreg s24  }
0xb1: {  	[dreg:$0x4] =	wrdreg s18  }
0xb2: {  	[dreg:$0x5] =	wrdreg $0xC000  }
0xb3: {  	[dreg:$0x6] =	wrdreg $0x9  }
0xb4: {  	_ =	task.clear_ibuf [dreg:s8], $0x7FFFF;
	_ =	strace $0x90000046  }
0xb5: {  	s29 =	simm.s32 $0x9;
	_ =	strace $0x80000048  }
0xb6: {  	_ =	swait.ge [sflag:s29], $0x1  }
0xb7: {  	[sflag:s29] =	ssyncadd.s32 $0xFFFFFFFF  }
0xb8: {  	_ =	strace $0x90000048  }
0xb9: {  	_ =	sfence  }
0xba: {  	s30 =	sld [smem:$0x0];
	_ =	sdelay $0x2  }
0xbb: {  	s31 =	sshll.u32 s1, $0xD;
	s1 =	sshrl.u32 s1, $0x2  }
0xbc: {  	s3 =	sand.u32 $0x4000, s31;
	s1 =	sadd.s32 s1, s30  }
0xbd: {  	s0 =	sor.u32 s3, s0;
	s1 =	sshll.u32 s1, $0x11  }
0xbe: {  	s0 =	sor.u32 s1, s0  }
0xbf: {  	s0 =	sadd.s32 $0x8F2B, s0  }
0xc0: {  	[sflag:s0] =	ssyncadd.remote.s32 $0x1  }
0xc1: {  	_ =	sfence.sel $0xFFFF  }
0xc2: {  	[dreg:$0x0] =	wrdreg $0xFFFFFFFF;
	(pc) =	sbr.abs _section_cstart, $3  }
0xc3: {  	[dreg:$0x1] =	wrdreg $0xFFFFFFFF  }
0xc4: {  	_ =	task.clear_ibuf [dreg:s8], $0x2FFFF;
	_ =	strace $0x9FFFFFFF  }
0xc5: {  	(tm) =	ssettm $0x7FFFFFFF  }
tec
execute0_lowered:
.L_overlay_start_1:
0x0: {  	(tag) =	ssettag $0x1  }
0x1: {  	s7 =	rddreg [dreg:$0x0]  }
0x2: {  	s5 =	rddreg [dreg:$0x1]  }
0x3: {  	s6 =	rddreg [dreg:$0x2]  }
0x4: {  	s2 =	rddreg [dreg:$0x3]  }
0x5: {  	s0 =	rddreg [dreg:$0x4];
	s3 =	simm.s32 $0x0  }
0x6: {  	s1 =	stileid.u32;
	s4 =	srdreg.scid;
	s13 =	simm.s32 $0x100  }
0x7: {  	s14 =	simm.s32 $0x180;
	s15 =	simm.s32 $0x200;
	s16 =	simm.s32 $0x280  }
0x8: {  	s17 =	simm.s32 $0x300;
	s18 =	simm.s32 $0x380;
	s19 =	simm.s32 $0x1  }
0x9: {  	[smem:$0x7FF] =	sst s3;
	s8 =	smul.u32 $0x2800, s1;
	s9 =	sand.u32 $0x1, s4  }
0xa: {  	s4 =	sadd.s32 $0x400, s5;
	s31 =	sshll.u32 s1, $0x6;
	s11 =	smul.u32 $0x28000, s9  }
0xb: {  	_ =	strace $0x80000047;
	s10 =	ssub.s32 $0x2, s9;
	s9 =	smul.u32 $0x5000, s9  }
0xc: {  	s20 =	sshrl.u32 s8, $0x3;
	s12 =	sshrl.u32 s10, $0x1;
	s29 =	sadd.s32 s8, s2  }
0xd: {  	s5 =	sadd.s32 s20, s5;
	s10 =	ssub.s32 s10, s12;
	s11 =	sadd.s32 s8, s11  }
0xe: {  	s21 =	sadd.s32 s6, s9;
	s8 =	simm.s32 $0x400;
	s9 =	simm.s32 $0x2  }
0xf: {  	s12 =	simm.s32 $0x80;
	s5 =	sadd.s32 $0x600, s5;
	s30 =	sshrl.u32 s11, $0x3  }
0x10: {  	s6 =	smax.u32 s10, $0x1;
	s10 =	sor.u32 $0x1C02, s31;
	s11 =	sshrl.u32 s29, $0x3  }
0x11: {  	s20 =	sadd.s32 s20, s21;
	s21 =	simm.s32 $0x0;
	s7 =	sadd.s32 s30, s7  }
.LBB2_1:
0x12: {  	[tilespmem:s8], [sflag:$0x2] =	stream.linear.gather [hbm4b:s4+s3], $0x800, $0x38;
	[tilespmem:$0x3400] =	vst v63  }
0x13: {  	_ =	swait.ge [sflag:s9], $0x800  }
0x14: {  	[sflag:s9] =	ssyncset.done $0x0  }
0x15: {  	[sflag:s9] =	ssyncadd.s32 $0xFFFFF800  }
0x16: {  	[spmem:s11], [sflag:s10] =	dma.local [hbm:s5], $0x500  }
0x17: {  	_ =	swait.ge [sflag:s9], $0x500  }
0x18: {  	[sflag:s9] =	ssyncset.done $0x0  }
0x19: {  	[sflag:s9] =	ssyncadd.s32 $0xFFFFFB00  }
0x1a: {  	s22 =	sadd.s32 $0x0, s7;
	[bflag:$0x0] =	sbarrier.arrive $0xFFFF  }
0x1b: {  	[tilespmem:s3], [sflag:$0x2] =	stream.linear.gather [hbm4b:s22+s3], $0x400, $0x38;
	[tilespmem:$0x3400] =	vst v63  }
0x1c: {  	_ =	swait.ge [sflag:s9], $0x400  }
0x1d: {  	[sflag:s9] =	ssyncset.done $0x0  }
0x1e: {  	[sflag:s9] =	ssyncadd.s32 $0xFFFFFC00  }
0x1f: {  	[spmem:s2] =	stream.indirect.scatter.add.f32 [tilespmem:s8], [sflag:$0x1], $0x10, s3, s12, $0xb8;
	[tilespmem:$0x3400] =	vst v63  }
0x20: {  	_ = 	snop  }
0x21: {  	[spmem:s2] =	stream.indirect.scatter.add.f32 [tilespmem:s8], [sflag:$0x1], $0x10, s12, s12, $0xb8;
	[tilespmem:$0x3400] =	vst v63  }
0x22: {  	_ = 	snop  }
0x23: {  	[spmem:s2] =	stream.indirect.scatter.add.f32 [tilespmem:s8], [sflag:$0x1], $0x10, s13, s12, $0xb8;
	[tilespmem:$0x3400] =	vst v63  }
0x24: {  	_ = 	snop  }
0x25: {  	[spmem:s2] =	stream.indirect.scatter.add.f32 [tilespmem:s8], [sflag:$0x1], $0x10, s14, s12, $0xb8;
	[tilespmem:$0x3400] =	vst v63  }
0x26: {  	_ = 	snop  }
0x27: {  	[spmem:s2] =	stream.indirect.scatter.add.f32 [tilespmem:s8], [sflag:$0x1], $0x10, s15, s12, $0xb8;
	[tilespmem:$0x3400] =	vst v63  }
0x28: {  	_ = 	snop  }
0x29: {  	[spmem:s2] =	stream.indirect.scatter.add.f32 [tilespmem:s8], [sflag:$0x1], $0x10, s16, s12, $0xb8;
	[tilespmem:$0x3400] =	vst v63  }
0x2a: {  	_ = 	snop  }
0x2b: {  	[spmem:s2] =	stream.indirect.scatter.add.f32 [tilespmem:s8], [sflag:$0x1], $0x10, s17, s12, $0xb8;
	[tilespmem:$0x3400] =	vst v63  }
0x2c: {  	_ = 	snop  }
0x2d: {  	[spmem:s2] =	stream.indirect.scatter.add.f32 [tilespmem:s8], [sflag:$0x1], $0x10, s18, s12, $0xb8;
	[tilespmem:$0x3400] =	vst v63  }
0x2e: {  	_ =	swait.ge [sflag:s19], $0x800  }
0x2f: {  	[sflag:s19] =	ssyncset.done $0x0  }
0x30: {  	[sflag:s19] =	ssyncadd.s32 $0xFFFFF800  }
0x31: {  	_ =	swait.ge [sflag:s19], $0x800  }
0x32: {  	[sflag:s19] =	ssyncset.done $0x0  }
0x33: {  	[sflag:s19] =	ssyncadd.s32 $0xFFFFF800  }
0x34: {  	_ =	swait.ge [sflag:s19], $0x800  }
0x35: {  	[sflag:s19] =	ssyncset.done $0x0  }
0x36: {  	[sflag:s19] =	ssyncadd.s32 $0xFFFFF800  }
0x37: {  	_ =	swait.ge [sflag:s19], $0x800  }
0x38: {  	[sflag:s19] =	ssyncset.done $0x0  }
0x39: {  	[sflag:s19] =	ssyncadd.s32 $0xFFFFF800  }
0x3a: {  	_ =	swait.ge [sflag:s19], $0x800  }
0x3b: {  	[sflag:s19] =	ssyncset.done $0x0  }
0x3c: {  	[sflag:s19] =	ssyncadd.s32 $0xFFFFF800  }
0x3d: {  	_ =	swait.ge [sflag:s19], $0x800  }
0x3e: {  	[sflag:s19] =	ssyncset.done $0x0  }
0x3f: {  	[sflag:s19] =	ssyncadd.s32 $0xFFFFF800  }
0x40: {  	_ =	swait.ge [sflag:s19], $0x800  }
0x41: {  	[sflag:s19] =	ssyncset.done $0x0  }
0x42: {  	[sflag:s19] =	ssyncadd.s32 $0xFFFFF800  }
0x43: {  	_ =	swait.ge [sflag:s19], $0x800  }
0x44: {  	s24 =	simm.s32 $0x100;
	s22 =	simm.s32 $0x80;
	[sflag:s19] =	ssyncset.done $0x0  }
.LBB2_2:
0x45: {  	s25 =	sadd.s32 s22, s7  }
0x46: {  	[sflag:s19] =	ssyncadd.s32 $0xFFFFF800;
	s22 =	smov.u32 s24;
	s23 =	sadd.s32 $0x80, s24  }
0x47: {  	[tilespmem:s3], [sflag:$0x2] =	stream.linear.gather [hbm4b:s25+s3], $0x400, $0x38;
	[tilespmem:$0x3400] =	vst v63  }
0x48: {  	p0 =	sne.s32 s24, $0x480;
	_ =	swait.ge [sflag:s9], $0x400  }
0x49: {  	[sflag:s9] =	ssyncset.done $0x0  }
0x4a: {  	[sflag:s9] =	ssyncadd.s32 $0xFFFFFC00  }
0x4b: {  	[spmem:s2] =	stream.indirect.scatter.add.f32 [tilespmem:s8], [sflag:$0x1], $0x10, s3, s12, $0xb8;
	[tilespmem:$0x3400] =	vst v63  }
0x4c: {  	_ = 	snop  }
0x4d: {  	[spmem:s2] =	stream.indirect.scatter.add.f32 [tilespmem:s8], [sflag:$0x1], $0x10, s12, s12, $0xb8;
	[tilespmem:$0x3400] =	vst v63  }
0x4e: {  	_ = 	snop  }
0x4f: {  	[spmem:s2] =	stream.indirect.scatter.add.f32 [tilespmem:s8], [sflag:$0x1], $0x10, s13, s12, $0xb8;
	[tilespmem:$0x3400] =	vst v63  }
0x50: {  	_ = 	snop  }
0x51: {  	[spmem:s2] =	stream.indirect.scatter.add.f32 [tilespmem:s8], [sflag:$0x1], $0x10, s14, s12, $0xb8;
	[tilespmem:$0x3400] =	vst v63  }
0x52: {  	_ = 	snop  }
0x53: {  	[spmem:s2] =	stream.indirect.scatter.add.f32 [tilespmem:s8], [sflag:$0x1], $0x10, s15, s12, $0xb8;
	[tilespmem:$0x3400] =	vst v63  }
0x54: {  	_ = 	snop  }
0x55: {  	[spmem:s2] =	stream.indirect.scatter.add.f32 [tilespmem:s8], [sflag:$0x1], $0x10, s16, s12, $0xb8;
	[tilespmem:$0x3400] =	vst v63  }
0x56: {  	_ = 	snop  }
0x57: {  	[spmem:s2] =	stream.indirect.scatter.add.f32 [tilespmem:s8], [sflag:$0x1], $0x10, s17, s12, $0xb8;
	[tilespmem:$0x3400] =	vst v63  }
0x58: {  	_ = 	snop  }
0x59: {  	[spmem:s2] =	stream.indirect.scatter.add.f32 [tilespmem:s8], [sflag:$0x1], $0x10, s18, s12, $0xb8;
	[tilespmem:$0x3400] =	vst v63  }
0x5a: {  	_ =	swait.ge [sflag:s19], $0x800  }
0x5b: {  	[sflag:s19] =	ssyncset.done $0x0  }
0x5c: {  	[sflag:s19] =	ssyncadd.s32 $0xFFFFF800  }
0x5d: {  	_ =	swait.ge [sflag:s19], $0x800  }
0x5e: {  	[sflag:s19] =	ssyncset.done $0x0  }
0x5f: {  	[sflag:s19] =	ssyncadd.s32 $0xFFFFF800  }
0x60: {  	_ =	swait.ge [sflag:s19], $0x800  }
0x61: {  	[sflag:s19] =	ssyncset.done $0x0  }
0x62: {  	[sflag:s19] =	ssyncadd.s32 $0xFFFFF800  }
0x63: {  	_ =	swait.ge [sflag:s19], $0x800  }
0x64: {  	[sflag:s19] =	ssyncset.done $0x0  }
0x65: {  	[sflag:s19] =	ssyncadd.s32 $0xFFFFF800  }
0x66: {  	_ =	swait.ge [sflag:s19], $0x800  }
0x67: {  	[sflag:s19] =	ssyncset.done $0x0  }
0x68: {  	[sflag:s19] =	ssyncadd.s32 $0xFFFFF800  }
0x69: {  	_ =	swait.ge [sflag:s19], $0x800  }
0x6a: {  	[sflag:s19] =	ssyncset.done $0x0  }
0x6b: {  	[sflag:s19] =	ssyncadd.s32 $0xFFFFF800  }
.Ltmp0:
0x6c: {  	_ =	swait.ge [sflag:s19], $0x800;
	(pc) =	sbr.rel @p0 .LBB2_2-.Ltmp0, $4  }
0x6d: {  	[sflag:s19] =	ssyncset.done $0x0  }
0x6e: {  	[sflag:s19] =	ssyncadd.s32 $0xFFFFF800  }
0x6f: {  	_ =	swait.ge [sflag:s19], $0x800  }
0x70: {  	s24 =	smov.u32 s23;
	[sflag:s19] =	ssyncset.done $0x0  }
0x71: {  	s22 =	sadd.s32 s22, s7;
	[sflag:s19] =	ssyncadd.s32 $0xFFFFF800  }
0x72: {  	[tilespmem:s3], [sflag:$0x2] =	stream.linear.gather [hbm4b:s22+s3], $0x400, $0x38;
	[tilespmem:$0x3400] =	vst v63  }
0x73: {  	_ =	swait.ge [sflag:s9], $0x400  }
0x74: {  	[sflag:s9] =	ssyncset.done $0x0  }
0x75: {  	[sflag:s9] =	ssyncadd.s32 $0xFFFFFC00  }
0x76: {  	[spmem:s2] =	stream.indirect.scatter.add.f32 [tilespmem:s8], [sflag:$0x1], $0x10, s3, s12, $0xb8;
	[tilespmem:$0x3400] =	vst v63  }
0x77: {  	_ = 	snop  }
0x78: {  	[spmem:s2] =	stream.indirect.scatter.add.f32 [tilespmem:s8], [sflag:$0x1], $0x10, s12, s12, $0xb8;
	[tilespmem:$0x3400] =	vst v63  }
0x79: {  	_ = 	snop  }
0x7a: {  	[spmem:s2] =	stream.indirect.scatter.add.f32 [tilespmem:s8], [sflag:$0x1], $0x10, s13, s12, $0xb8;
	[tilespmem:$0x3400] =	vst v63  }
0x7b: {  	_ = 	snop  }
0x7c: {  	[spmem:s2] =	stream.indirect.scatter.add.f32 [tilespmem:s8], [sflag:$0x1], $0x10, s14, s12, $0xb8;
	[tilespmem:$0x3400] =	vst v63  }
0x7d: {  	_ = 	snop  }
0x7e: {  	[spmem:s2] =	stream.indirect.scatter.add.f32 [tilespmem:s8], [sflag:$0x1], $0x10, s15, s12, $0xb8;
	[tilespmem:$0x3400] =	vst v63  }
0x7f: {  	_ = 	snop  }
0x80: {  	[spmem:s2] =	stream.indirect.scatter.add.f32 [tilespmem:s8], [sflag:$0x1], $0x10, s16, s12, $0xb8;
	[tilespmem:$0x3400] =	vst v63  }
0x81: {  	_ = 	snop  }
0x82: {  	[spmem:s2] =	stream.indirect.scatter.add.f32 [tilespmem:s8], [sflag:$0x1], $0x10, s17, s12, $0xb8;
	[tilespmem:$0x3400] =	vst v63  }
0x83: {  	_ = 	snop  }
0x84: {  	[spmem:s2] =	stream.indirect.scatter.add.f32 [tilespmem:s8], [sflag:$0x1], $0x10, s18, s12, $0xb8;
	[tilespmem:$0x3400] =	vst v63  }
0x85: {  	_ =	swait.ge [sflag:s19], $0x800  }
0x86: {  	[sflag:s19] =	ssyncset.done $0x0  }
0x87: {  	[sflag:s19] =	ssyncadd.s32 $0xFFFFF800  }
0x88: {  	_ =	swait.ge [sflag:s19], $0x800  }
0x89: {  	[sflag:s19] =	ssyncset.done $0x0  }
0x8a: {  	[sflag:s19] =	ssyncadd.s32 $0xFFFFF800  }
0x8b: {  	_ =	swait.ge [sflag:s19], $0x800  }
0x8c: {  	[sflag:s19] =	ssyncset.done $0x0  }
0x8d: {  	[sflag:s19] =	ssyncadd.s32 $0xFFFFF800  }
0x8e: {  	_ =	swait.ge [sflag:s19], $0x800  }
0x8f: {  	[sflag:s19] =	ssyncset.done $0x0  }
0x90: {  	[sflag:s19] =	ssyncadd.s32 $0xFFFFF800  }
0x91: {  	_ =	swait.ge [sflag:s19], $0x800  }
0x92: {  	[sflag:s19] =	ssyncset.done $0x0  }
0x93: {  	[sflag:s19] =	ssyncadd.s32 $0xFFFFF800  }
0x94: {  	_ =	swait.ge [sflag:s19], $0x800  }
0x95: {  	[sflag:s19] =	ssyncset.done $0x0  }
0x96: {  	[sflag:s19] =	ssyncadd.s32 $0xFFFFF800  }
0x97: {  	_ =	swait.ge [sflag:s19], $0x800  }
0x98: {  	[sflag:s19] =	ssyncset.done $0x0  }
0x99: {  	[sflag:s19] =	ssyncadd.s32 $0xFFFFF800  }
0x9a: {  	_ =	swait.ge [sflag:s19], $0x800  }
0x9b: {  	s21 =	sadd.s32 $0x1, s21;
	[sflag:s19] =	ssyncset.done $0x0  }
0x9c: {  	p0 =	sne.s32 s21, s6;
	[sflag:s19] =	ssyncadd.s32 $0xFFFFF800  }
.Ltmp1:
0x9d: {  	[bflag:$0x0] =	sbarrier.arrive $0xFFFF;
	(pc) =	sbr.rel @p0 .LBB2_1-.Ltmp1, $4  }
0x9e: {  	[hbm:s20], [sflag:s10] =	dma.local [spmem:s11], $0x500  }
0x9f: {  	_ =	swait.ge [sflag:s9], $0x500  }
0xa0: {  	[sflag:s9] =	ssyncset.done $0x0  }
0xa1: {  	[sflag:s9] =	ssyncadd.s32 $0xFFFFFB00  }
0xa2: {  	_ =	sfence.sel $0x180000  }
0xa3: {  	[bflag:$0x0] =	sbarrier.arrive $0xFFFF  }
0xa4: {  	p0 =	sne.s32 s1, $0x0;
	_ =	strace $0x90000047  }
0xa5: {  	s0 =	sadd.s32 @!p0 $0x100000, s0;
	[bflag:$0x2] =	sbarrier.arrive $0xFFFF  }
0xa6: {  	[sflag:s0] =	ssyncadd.tile.s32 @!p0 $0x1;
	_ =	shalt  }
.Lfunc_end2:
_tile_overlayer_lowered:
.L_overlay_start_2:
0xa7: {  	(tag) =	ssettag $0x2  }
0xa8: {  	s0 =	rddreg [dreg:$0x0];
	s2 =	stileid.u32  }
0xa9: {  	s1 =	rddreg [dreg:$0x1];
	p0 =	sne.s32 s2, $0x0  }
0xaa: {  	s3 =	rddreg [dreg:$0x2];
	[bflag:$0x3] =	sbarrier.arrive $0xFFFF;
	s2 =	simm.s32 @!p0 $0x1C02  }
0xab: {  	[timem:s3], [sflag:s2] =	dma.local @!p0 [hbm:s0], s1  }
0xac: {  	s0 =	simm.s32 @!p0 $0x2  }
0xad: {  	_ =	swait.ge @!p0 [sflag:s0], s1  }
0xae: {  	s1 =	ssub.s32 @!p0 $0x0, s1;
	[sflag:s0] =	ssyncset.done @!p0 $0x0  }
0xaf: {  	[sflag:s0] =	ssyncadd.s32 @!p0 s1  }
0xb0: {  	[bflag:$0x3] =	sbarrier.arrive $0xFFFF  }
0xb1: {  	_ =	shalt  }

</sc_bundles>
